<compile_context>
chip_gen: v7x
topology: tpu7x:2x2x1
jax: 0.10.2.dev20260603
libtpu: 0.0.44.dev20260713+nightly
codegen_flags: <defaults>
</compile_context>

<pallas_src>
import jax
import jax.numpy as jnp
from jax import lax
from jax.experimental import pallas as pl
from jax.experimental.pallas import tpu as pltpu
from jax.experimental.pallas import tpu_sc as plsc



_CN = 1024


def _tables_body(cm_ref, cd_ref, xt_ref, g_ref, xd_ref, vd_ref, sm_ref, sd_ref):
    xg = xt_ref[...] * g_ref[...]
    sm = jnp.sum(xg, axis=(0, 1))
    sm_ref[...] = sm[None, None, :] + cm_ref[0]
    sd = jnp.sum(xd_ref[...] * vd_ref[...], axis=1)
    sd_ref[...] = sd[None, None, :] + cd_ref[0]


def _compute_tables(xt, g3, xd, vd, cm, cd):
    t, j, n = xt.shape
    fd = xd.shape[1]
    nblk = (n + _CN - 1) // _CN
    sm2d, sd2d = pl.pallas_call(
        _tables_body,
        grid=(nblk,),
        in_specs=[
            pl.BlockSpec(memory_space=pltpu.SMEM),
            pl.BlockSpec(memory_space=pltpu.SMEM),
            pl.BlockSpec((t, j, _CN), lambda i: (0, 0, i)),
            pl.BlockSpec((t, j, 1), lambda i: (0, 0, 0)),
            pl.BlockSpec((_CN, fd), lambda i: (i, 0)),
            pl.BlockSpec((1, fd), lambda i: (0, 0)),
        ],
        out_specs=[
            pl.BlockSpec((1, 1, _CN), lambda i: (i, 0, 0)),
            pl.BlockSpec((1, 1, _CN), lambda i: (i, 0, 0)),
        ],
        out_shape=[
            jax.ShapeDtypeStruct((nblk, 1, _CN), jnp.float32),
            jax.ShapeDtypeStruct((nblk, 1, _CN), jnp.float32),
        ],
    )(cm, cd, xt, g3, xd, vd)
    return sm2d.reshape(-1)[:n], sd2d.reshape(-1)[:n]



_LANES = 16
_NWORKERS = 32
_UNROLL = 8
_CH = 12544
_NCHUNK = 4
_SPAN = _CH * _NCHUNK


def _make_edge_kernel(n_nodes: int, e: int):
    per_w = e // _NWORKERS
    mesh = plsc.VectorSubcoreMesh(core_axis_name="c", subcore_axis_name="s")

    def body(sm_hbm, sd_hbm, eidx_hbm, out_hbm, sm_v, sd_v, e_v, o_v):
        wid = lax.axis_index("s") * 2 + lax.axis_index("c")
        pltpu.sync_copy(sm_hbm, sm_v)
        pltpu.sync_copy(sd_hbm, sd_v)
        start = lax.min((wid * per_w >> 7) << 7, e - _SPAN)
        start = pl.multiple_of(start, 128)

        def chunk_body(c, carry):
            off = pl.multiple_of(start + c * _CH, 128)
            pltpu.sync_copy(eidx_hbm.at[:, pl.ds(off, _CH)], e_v)

            @plsc.parallel_loop(0, _CH, step=_LANES, unroll=_UNROLL)
            def _(o):
                i0 = e_v[0, pl.ds(o, _LANES)]
                i1 = e_v[1, pl.ds(o, _LANES)]
                a = plsc.load_gather(sm_v, [i0])
                b = plsc.load_gather(sd_v, [i1])
                o_v[pl.ds(o, _LANES)] = a + b
            pltpu.sync_copy(o_v, out_hbm.at[pl.ds(off, _CH)])
            return carry

        lax.fori_loop(0, _NCHUNK, chunk_body, 0)

    return pl.kernel(
        body,
        out_type=jax.ShapeDtypeStruct((e,), jnp.float32),
        mesh=mesh,
        compiler_params=pltpu.CompilerParams(needs_layout_passes=False),
        scratch_types=[
            pltpu.VMEM((n_nodes,), jnp.float32),
            pltpu.VMEM((n_nodes,), jnp.float32),
            pltpu.VMEM((2, _CH), jnp.int32),
            pltpu.VMEM((_CH,), jnp.float32),
        ],
    )



_SB = 1024


def _sigmoid_body(s_ref, o_ref):
    o_ref[...] = jax.nn.sigmoid(s_ref[...])


def _apply_sigmoid(s_flat):
    e = s_flat.shape[0]
    s2d = s_flat.reshape(e // 128, 128)
    rows = s2d.shape[0]
    nblk = (rows + _SB - 1) // _SB
    o2d = pl.pallas_call(
        _sigmoid_body,
        grid=(nblk,),
        in_specs=[pl.BlockSpec((_SB, 128), lambda i: (i, 0))],
        out_specs=pl.BlockSpec((_SB, 128), lambda i: (i, 0)),
        out_shape=jax.ShapeDtypeStruct((rows, 128), jnp.float32),
    )(s2d)
    return o2d.reshape(-1)




def kernel(x_mirna, x_disease, edge_label_index, conv_w, conv_b,
           w_mirna, b_mirna, w_disease, b_disease, w1, b1, w2, b2):
    n = x_mirna.shape[0]
    e = edge_label_index.shape[1]

    hp = jax.lax.Precision.HIGHEST
    u = jnp.dot(w1, w2, precision=hp)
    dim = w1.shape[1]
    um, ud = u[:dim, 0], u[dim:, 0]
    vm = jnp.dot(w_mirna, um, precision=hp)
    vd = jnp.dot(w_disease, ud, precision=hp)
    taps = conv_w[0, 0]
    g = jnp.stack(
        [jnp.convolve(vm, taps[:, jj], mode="full", precision=hp)
         for jj in range(taps.shape[1])],
        axis=1)
    cm = (conv_b[0] * jnp.sum(vm) + jnp.dot(b_mirna, um, precision=hp)
          + jnp.dot(b1, w2[:, 0], precision=hp) + b2[0])
    cd = jnp.dot(b_disease, ud, precision=hp)

    xt = jnp.transpose(x_mirna, (1, 2, 0))
    sm, sd = _compute_tables(
        xt, g[:, :, None], x_disease, vd.reshape(1, -1),
        cm.reshape(1), cd.reshape(1))

    eidx = edge_label_index.astype(jnp.int32)
    s = _make_edge_kernel(n, e)(sm, sd, eidx)
    return _apply_sigmoid(s)

# --- scband reference (transcript-rebuilt; emitter-appended) ---
"""Pipeline reference for scband-model-44633300140133 (READ-ONLY COPY).

The authoritative reference and input builder live on the scoring server;
editing this copy changes nothing except your own understanding.
"""

import jax, jax.numpy as jnp
import numpy as np
from jax import lax

N_MI, N_DI, E = 10000, 10000, 1600000
K, DIM = 6, 32
L = 235 - K + 1  # 230


def setup_inputs(seed: int = 0) -> dict:
    key = jax.random.key(seed)
    ks = jax.random.split(key, 12)
    inp = {
        "x_mirna": jax.random.normal(ks[0], (N_MI, 235, 4), jnp.float32),
        "x_disease": jax.random.normal(ks[1], (N_DI, 1536), jnp.float32),
        "edge_label_index": jax.random.randint(ks[2], (2, E), 0, N_MI, dtype=jnp.int64)
            if jax.config.jax_enable_x64 else jax.random.randint(ks[2], (2, E), 0, N_MI, dtype=jnp.int32),
        # learned params (Embedding with feature_ablation_type=1: conv + 2 linears; Classifier: 2 linears)
        "conv_w": jax.random.normal(ks[3], (1, 1, K, 4), jnp.float32) * 0.2,   # OIHW
        "conv_b": jnp.zeros((1,), jnp.float32),
        "w_mirna": jax.random.normal(ks[4], (L, DIM), jnp.float32) * (1.0 / np.sqrt(L)),
        "b_mirna": jnp.zeros((DIM,), jnp.float32),
        "w_disease": jax.random.normal(ks[5], (1536, DIM), jnp.float32) * (1.0 / np.sqrt(1536)),
        "b_disease": jnp.zeros((DIM,), jnp.float32),
        "w1": jax.random.normal(ks[6], (2 * DIM, DIM), jnp.float32) * (1.0 / np.sqrt(2 * DIM)),
        "b1": jnp.zeros((DIM,), jnp.float32),
        "w2": jax.random.normal(ks[7], (DIM, 1), jnp.float32) * (1.0 / np.sqrt(DIM)),
        "b2": jnp.zeros((1,), jnp.float32),
    }
    return inp


def reference(x_mirna, x_disease, edge_label_index, conv_w, conv_b,
              w_mirna, b_mirna, w_disease, b_disease, w1, b1, w2, b2):
    # Embedding.forward (feature_ablation_type=1, so GNN is skipped in Model.forward)
    xm = x_mirna[:, None, :, :]  # [N,1,235,4]
    xm = lax.conv_general_dilated(
        xm, conv_w, window_strides=(1, 1), padding="VALID",
        dimension_numbers=("NCHW", "OIHW", "NCHW"))
    xm = xm + conv_b[None, :, None, None]
    xm = xm[:, 0, :, 0]                      # squeeze(-1).squeeze(1) -> [N, 230]
    xm = xm @ w_mirna + b_mirna              # [N, dim]
    xd = x_disease @ w_disease + b_disease   # [N, dim]
    # Classifier.forward: gather endpoints, concat, MLP, sigmoid
    ef_m = jnp.take(xm, edge_label_index[0], axis=0)  # [E, dim]
    ef_d = jnp.take(xd, edge_label_index[1], axis=0)  # [E, dim]
    ef = jnp.concatenate([ef_m, ef_d], axis=1)        # [E, 2*dim]
    h = ef @ w1 + b1
    h = h @ w2 + b2
    return jax.nn.sigmoid(h)[..., 0]                  # squeeze(-1) -> [E]

if __name__ == "__main__":
    import jax
    _d = setup_inputs()
    print(jax.jit(kernel)(*tuple(_d.values())))

</pallas_src>

<mosaic_0001>
#map = affine_map<(d0, d1) -> (0)>
#map1 = affine_map<(d0, d1) -> (0, 0)>
module attributes {stable_mosaic.version = 14 : i64} {
  func.func @body(%arg0: i32, %arg1: i32, %arg2: memref<10000xf32, #tpu.memory_space<hbm>>, %arg3: memref<10000xf32, #tpu.memory_space<hbm>>, %arg4: memref<2x1600000xi32, #tpu.memory_space<hbm>>, %arg5: memref<1600000xf32, #tpu.memory_space<hbm>>, %arg6: memref<10000xf32, #tpu.memory_space<vmem>>, %arg7: memref<10000xf32, #tpu.memory_space<vmem>>, %arg8: memref<2x12544xi32, #tpu.memory_space<vmem>>, %arg9: memref<12544xf32, #tpu.memory_space<vmem>>) attributes {dimension_semantics = [#tpu.dimension_semantics<core_parallel>, #tpu.dimension_semantics<subcore_parallel>], iteration_bounds = array<i64: 2, 16>, scalar_prefetch = 0 : i64, scratch_operands = 4 : i64, tpu.core_type = #tpu.core_type<sc_vector_subcore>, window_params = [{transform_indices = #map}, {transform_indices = #map}, {transform_indices = #map1}, {transform_indices = #map}]} {
    %mul3A = arith.constant 2 : i32
    %mul3A_0 = arith.muli %arg1, %mul3A : i32
    %add3A = arith.addi %mul3A_0, %arg0 : i32
    "tpu.region"() ({
      %run_scoped3A = tpu.sem_alloc : memref<!tpu.dma_semaphore, #tpu.memory_space<semaphore_mem>>
      tpu.enqueue_dma source(%arg2 : memref<10000xf32, #tpu.memory_space<hbm>>) target(%arg6 : memref<10000xf32, #tpu.memory_space<vmem>>) target_semaphore(%run_scoped3A : memref<!tpu.dma_semaphore, #tpu.memory_space<semaphore_mem>>)
      tpu.wait_dma2 semaphore(%run_scoped3A : memref<!tpu.dma_semaphore, #tpu.memory_space<semaphore_mem>>) src(%arg2 : memref<10000xf32, #tpu.memory_space<hbm>>) dst(%arg6 : memref<10000xf32, #tpu.memory_space<vmem>>)
      tpu.yield
    }) : () -> ()
    "tpu.region"() ({
      %run_scoped3A = tpu.sem_alloc : memref<!tpu.dma_semaphore, #tpu.memory_space<semaphore_mem>>
      tpu.enqueue_dma source(%arg3 : memref<10000xf32, #tpu.memory_space<hbm>>) target(%arg7 : memref<10000xf32, #tpu.memory_space<vmem>>) target_semaphore(%run_scoped3A : memref<!tpu.dma_semaphore, #tpu.memory_space<semaphore_mem>>)
      tpu.wait_dma2 semaphore(%run_scoped3A : memref<!tpu.dma_semaphore, #tpu.memory_space<semaphore_mem>>) src(%arg3 : memref<10000xf32, #tpu.memory_space<hbm>>) dst(%arg7 : memref<10000xf32, #tpu.memory_space<vmem>>)
      tpu.yield
    }) : () -> ()
    %mul3A_1 = arith.constant 50000 : i32
    %mul3A_2 = arith.muli %add3A, %mul3A_1 : i32
    %shift_right_arithmetic3A = arith.constant 7 : i32
    %shift_right_arithmetic3A_3 = arith.shrsi %mul3A_2, %shift_right_arithmetic3A : i32
    %shift_left3A = arith.constant 7 : i32
    %shift_left3A_4 = arith.shli %shift_right_arithmetic3A_3, %shift_left3A : i32
    %min3A = arith.constant 1549824 : i32
    %min3A_5 = arith.minsi %shift_left3A_4, %min3A : i32
    %multiple_of3A = tpu.assume_multiple %min3A_5, 128 : i32
    %scan3A = arith.constant 0 : i32
    %scan3A_6 = arith.constant 0 : i32
    %scan3A_7 = arith.constant 4 : i32
    %scan3A_8 = arith.addi %scan3A_6, %scan3A_7 : i32
    %scan3A_9 = arith.constant 1 : i32
    scf.for %scan3A_11 = %scan3A_6 to %scan3A_8 step %scan3A_9  : i32 {
      %mul3A_12 = arith.constant 12544 : i32
      %mul3A_13 = arith.muli %scan3A_11, %mul3A_12 : i32
      %add3A_14 = arith.addi %multiple_of3A, %mul3A_13 : i32
      %multiple_of3A_15 = tpu.assume_multiple %add3A_14, 128 : i32
      "tpu.region"() ({
        %run_scoped3A = tpu.sem_alloc : memref<!tpu.dma_semaphore, #tpu.memory_space<semaphore_mem>>
        %dma_start3A = arith.constant 0 : i32
        %dma_start3A_18 = tpu.memref_slice %arg4[%dma_start3A, %multiple_of3A_15] : memref<2x1600000xi32, #tpu.memory_space<hbm>> -> memref<2x12544xi32, #tpu.memory_space<hbm>>
        %dma_start3A_19 = arith.constant 0 : i32
        %dma_start3A_20 = tpu.memref_slice %arg4[%dma_start3A_19, %multiple_of3A_15] : memref<2x1600000xi32, #tpu.memory_space<hbm>> -> memref<2x12544xi32, #tpu.memory_space<hbm>>
        tpu.enqueue_dma source(%dma_start3A_20 : memref<2x12544xi32, #tpu.memory_space<hbm>>) target(%arg8 : memref<2x12544xi32, #tpu.memory_space<vmem>>) target_semaphore(%run_scoped3A : memref<!tpu.dma_semaphore, #tpu.memory_space<semaphore_mem>>)
        %dma_wait3A = arith.constant 0 : i32
        %dma_wait3A_21 = tpu.memref_slice %arg4[%dma_wait3A, %multiple_of3A_15] : memref<2x1600000xi32, #tpu.memory_space<hbm>> -> memref<2x12544xi32, #tpu.memory_space<hbm>>
        %dma_wait3A_22 = arith.constant 0 : i32
        %dma_wait3A_23 = tpu.memref_slice %arg4[%dma_wait3A_22, %multiple_of3A_15] : memref<2x1600000xi32, #tpu.memory_space<hbm>> -> memref<2x12544xi32, #tpu.memory_space<hbm>>
        tpu.wait_dma2 semaphore(%run_scoped3A : memref<!tpu.dma_semaphore, #tpu.memory_space<semaphore_mem>>) src(%dma_wait3A_23 : memref<2x12544xi32, #tpu.memory_space<hbm>>) dst(%arg8 : memref<2x12544xi32, #tpu.memory_space<vmem>>)
        tpu.yield
      }) : () -> ()
      %parallel_loop3A = arith.constant 0 : i32
      %parallel_loop3A_16 = arith.constant 12544 : i32
      %parallel_loop3A_17 = arith.constant 16 : i32
      scf.for %parallel_loop3A_18 = %parallel_loop3A to %parallel_loop3A_16 step %parallel_loop3A_17  : i32 {
        %parallel_loop3A_19 = arith.constant 0 : i32
        %parallel_loop3A_20 = arith.index_cast %parallel_loop3A_19 : i32 to index
        %parallel_loop3A_21 = arith.index_cast %parallel_loop3A_18 : i32 to index
        %parallel_loop3A_22 = tpu.vector_load %arg8[%parallel_loop3A_20, %parallel_loop3A_21] {strides = array<i32>} : memref<2x12544xi32, #tpu.memory_space<vmem>>, vector<16xi32>,
        %parallel_loop3A_23 = arith.constant 1 : i32
        %parallel_loop3A_24 = arith.index_cast %parallel_loop3A_23 : i32 to index
        %parallel_loop3A_25 = arith.index_cast %parallel_loop3A_18 : i32 to index
        %parallel_loop3A_26 = tpu.vector_load %arg8[%parallel_loop3A_24, %parallel_loop3A_25] {strides = array<i32>} : memref<2x12544xi32, #tpu.memory_space<vmem>>, vector<16xi32>,
        %parallel_loop3A_27 = tpu.vector_load_idx %arg6[%parallel_loop3A_22] : memref<10000xf32, #tpu.memory_space<vmem>>[vector<16xi32>], vector<16xf32>,
        %parallel_loop3A_28 = tpu.vector_load_idx %arg7[%parallel_loop3A_26] : memref<10000xf32, #tpu.memory_space<vmem>>[vector<16xi32>], vector<16xf32>,
        %parallel_loop3A_29 = arith.addf %parallel_loop3A_27, %parallel_loop3A_28 : vector<16xf32>
        %parallel_loop3A_30 = arith.index_cast %parallel_loop3A_18 : i32 to index
        %parallel_loop3A_31 = tpu.vector_load %arg9[%parallel_loop3A_30] {strides = array<i32>} : memref<12544xf32, #tpu.memory_space<vmem>>, vector<16xf32>,
        tpu.vector_store %arg9[%parallel_loop3A_30], %parallel_loop3A_29 {strides = array<i32>} : memref<12544xf32, #tpu.memory_space<vmem>>, vector<16xf32>,
      } {sc.loop_unroll_factor = 8 : i64, sc.parallel_access}
      "tpu.region"() ({
        %run_scoped3A = tpu.sem_alloc : memref<!tpu.dma_semaphore, #tpu.memory_space<semaphore_mem>>
        %dma_start3A = tpu.memref_slice %arg5[%multiple_of3A_15] : memref<1600000xf32, #tpu.memory_space<hbm>> -> memref<12544xf32, #tpu.memory_space<hbm>>
        %dma_start3A_18 = tpu.memref_slice %arg5[%multiple_of3A_15] : memref<1600000xf32, #tpu.memory_space<hbm>> -> memref<12544xf32, #tpu.memory_space<hbm>>
        tpu.enqueue_dma source(%arg9 : memref<12544xf32, #tpu.memory_space<vmem>>) target(%dma_start3A_18 : memref<12544xf32, #tpu.memory_space<hbm>>) target_semaphore(%run_scoped3A : memref<!tpu.dma_semaphore, #tpu.memory_space<semaphore_mem>>)
        %dma_wait3A = tpu.memref_slice %arg5[%multiple_of3A_15] : memref<1600000xf32, #tpu.memory_space<hbm>> -> memref<12544xf32, #tpu.memory_space<hbm>>
        %dma_wait3A_19 = tpu.memref_slice %arg5[%multiple_of3A_15] : memref<1600000xf32, #tpu.memory_space<hbm>> -> memref<12544xf32, #tpu.memory_space<hbm>>
        tpu.wait_dma2 semaphore(%run_scoped3A : memref<!tpu.dma_semaphore, #tpu.memory_space<semaphore_mem>>) src(%arg9 : memref<12544xf32, #tpu.memory_space<vmem>>) dst(%dma_wait3A_19 : memref<12544xf32, #tpu.memory_space<hbm>>)
        tpu.yield
      }) : () -> ()
    }
    %scan3A_10 = arith.constant 4 : i32
    return
  }
}

module attributes {stable_mosaic.version = 14 : i64} {
  func.func @_tables_body(%arg0: i32, %arg1: memref<1xf32, #tpu.memory_space<smem>>, %arg2: memref<1xf32, #tpu.memory_space<smem>>, %arg3: memref<235x4x1024xf32, #tpu.memory_space<vmem>>, %arg4: memref<235x4x1xf32, #tpu.memory_space<vmem>>, %arg5: memref<1024x1536xf32, #tpu.memory_space<vmem>>, %arg6: memref<1x1536xf32, #tpu.memory_space<vmem>>, %arg7: memref<1x1x1024xf32, #tpu.memory_space<vmem>>, %arg8: memref<1x1x1024xf32, #tpu.memory_space<vmem>>) attributes {dimension_semantics = [#tpu.dimension_semantics<arbitrary>], iteration_bounds = array<i64: 10>, scalar_prefetch = 0 : i64, scratch_operands = 0 : i64, tpu.core_type = #tpu.core_type<tc>, window_params = [{transform_indices = @transform_0, window_bounds = array<i64: 1>}, {transform_indices = @transform_1, window_bounds = array<i64: 1>}, {transform_indices = @transform_2, window_bounds = array<i64: 235, 4, 1024>}, {pipeline_mode = #tpu.pipeline_mode<synchronous>, transform_indices = @transform_3, window_bounds = array<i64: 235, 4, 1>}, {transform_indices = @transform_4, window_bounds = array<i64: 1024, 1536>}, {pipeline_mode = #tpu.pipeline_mode<synchronous>, transform_indices = @transform_5, window_bounds = array<i64: 1, 1536>}, {transform_indices = @transform_6, window_bounds = array<i64: 1, 1, 1024>}, {transform_indices = @transform_7, window_bounds = array<i64: 1, 1, 1024>}]} {
    %get3A = arith.constant 0 : index
    %get3A_0 = arith.constant 0 : index
    %get3A_1 = arith.constant 0 : index
    %get3A_2 = vector.load %arg3[%get3A, %get3A_0, %get3A_1] : memref<235x4x1024xf32, #tpu.memory_space<vmem>>, vector<235x4x1024xf32>
    %get3A_3 = arith.constant 0 : index
    %get3A_4 = arith.constant 0 : index
    %get3A_5 = arith.constant 0 : index
    %get3A_6 = vector.load %arg4[%get3A_3, %get3A_4, %get3A_5] : memref<235x4x1xf32, #tpu.memory_space<vmem>>, vector<235x4x1xf32>
    %mul3A = vector.broadcast %get3A_6 : vector<235x4x1xf32> to vector<235x4x1024xf32>
    %mul3A_7 = arith.mulf %get3A_2, %mul3A : vector<235x4x1024xf32>
    %reduce_sum3A = arith.constant dense<0.000000e+00> : vector<1024xf32>
    %reduce_sum3A_8 = vector.multi_reduction <add>, %mul3A_7, %reduce_sum3A [0, 1] : vector<235x4x1024xf32> to vector<1024xf32>
    %broadcast_in_dim3A = vector.shape_cast %reduce_sum3A_8 : vector<1024xf32> to vector<1x1x1024xf32>
    %get3A_9 = arith.constant 0 : index
    %get3A_10 = memref.load %arg1[%get3A_9] : memref<1xf32, #tpu.memory_space<smem>>
    %add3A = vector.broadcast %get3A_10 : f32 to vector<1x1x1024xf32>
    %add3A_11 = arith.addf %broadcast_in_dim3A, %add3A : vector<1x1x1024xf32>
    %swap3A = arith.constant 0 : index
    %swap3A_12 = arith.constant 0 : index
    %swap3A_13 = arith.constant 0 : index
    %swap3A_14 = vector.load %arg7[%swap3A, %swap3A_12, %swap3A_13] : memref<1x1x1024xf32, #tpu.memory_space<vmem>>, vector<1x1x1024xf32>
    tpu.vector_store %arg7[%swap3A, %swap3A_12, %swap3A_13], %add3A_11 {strides = array<i32>} : memref<1x1x1024xf32, #tpu.memory_space<vmem>>, vector<1x1x1024xf32>,
    %get3A_15 = arith.constant 0 : index
    %get3A_16 = arith.constant 0 : index
    %get3A_17 = vector.load %arg5[%get3A_15, %get3A_16] : memref<1024x1536xf32, #tpu.memory_space<vmem>>, vector<1024x1536xf32>
    %get3A_18 = arith.constant 0 : index
    %get3A_19 = arith.constant 0 : index
    %get3A_20 = vector.load %arg6[%get3A_18, %get3A_19] : memref<1x1536xf32, #tpu.memory_space<vmem>>, vector<1x1536xf32>
    %mul3A_21 = vector.broadcast %get3A_20 : vector<1x1536xf32> to vector<1024x1536xf32>
    %mul3A_22 = arith.mulf %get3A_17, %mul3A_21 : vector<1024x1536xf32>
    %reduce_sum3A_23 = arith.constant dense<0.000000e+00> : vector<1024xf32>
    %reduce_sum3A_24 = vector.multi_reduction <add>, %mul3A_22, %reduce_sum3A_23 [1] : vector<1024x1536xf32> to vector<1024xf32>
    %broadcast_in_dim3A_25 = vector.shape_cast %reduce_sum3A_24 : vector<1024xf32> to vector<1x1x1024xf32>
    %get3A_26 = arith.constant 0 : index
    %get3A_27 = memref.load %arg2[%get3A_26] : memref<1xf32, #tpu.memory_space<smem>>
    %add3A_28 = vector.broadcast %get3A_27 : f32 to vector<1x1x1024xf32>
    %add3A_29 = arith.addf %broadcast_in_dim3A_25, %add3A_28 : vector<1x1x1024xf32>
    %swap3A_30 = arith.constant 0 : index
    %swap3A_31 = arith.constant 0 : index
    %swap3A_32 = arith.constant 0 : index
    %swap3A_33 = vector.load %arg8[%swap3A_30, %swap3A_31, %swap3A_32] : memref<1x1x1024xf32, #tpu.memory_space<vmem>>, vector<1x1x1024xf32>
    tpu.vector_store %arg8[%swap3A_30, %swap3A_31, %swap3A_32], %add3A_29 {strides = array<i32>} : memref<1x1x1024xf32, #tpu.memory_space<vmem>>, vector<1x1x1024xf32>,
    return
  }
  func.func @transform_0(%arg0: i32) -> i32 {
    %c0_i32 = arith.constant 0 : i32
    %c0_i32_0 = arith.constant 0 : i32
    return %c0_i32 : i32
  }
  func.func @transform_1(%arg0: i32) -> i32 {
    %c0_i32 = arith.constant 0 : i32
    %c0_i32_0 = arith.constant 0 : i32
    return %c0_i32 : i32
  }
  func.func @transform_2(%arg0: i32) -> (i32, i32, i32) {
    %c0_i32 = arith.constant 0 : i32
    %c0_i32_0 = arith.constant 0 : i32
    %c0_i32_1 = arith.constant 0 : i32
    return %c0_i32, %c0_i32_0, %arg0 : i32, i32, i32
  }
  func.func @transform_3(%arg0: i32) -> (i32, i32, i32) {
    %c0_i32 = arith.constant 0 : i32
    %c0_i32_0 = arith.constant 0 : i32
    %c0_i32_1 = arith.constant 0 : i32
    %c0_i32_2 = arith.constant 0 : i32
    return %c0_i32, %c0_i32_0, %c0_i32_1 : i32, i32, i32
  }
  func.func @transform_4(%arg0: i32) -> (i32, i32) {
    %c0_i32 = arith.constant 0 : i32
    %c0_i32_0 = arith.constant 0 : i32
    return %arg0, %c0_i32 : i32, i32
  }
  func.func @transform_5(%arg0: i32) -> (i32, i32) {
    %c0_i32 = arith.constant 0 : i32
    %c0_i32_0 = arith.constant 0 : i32
    %c0_i32_1 = arith.constant 0 : i32
    return %c0_i32, %c0_i32_0 : i32, i32
  }
  func.func @transform_6(%arg0: i32) -> (i32, i32, i32) {
    %c0_i32 = arith.constant 0 : i32
    %c0_i32_0 = arith.constant 0 : i32
    %c0_i32_1 = arith.constant 0 : i32
    return %arg0, %c0_i32, %c0_i32_0 : i32, i32, i32
  }
  func.func @transform_7(%arg0: i32) -> (i32, i32, i32) {
    %c0_i32 = arith.constant 0 : i32
    %c0_i32_0 = arith.constant 0 : i32
    %c0_i32_1 = arith.constant 0 : i32
    return %arg0, %c0_i32, %c0_i32_0 : i32, i32, i32
  }
}

module attributes {stable_mosaic.version = 14 : i64} {
  func.func @_sigmoid_body(%arg0: i32, %arg1: memref<1024x128xf32, #tpu.memory_space<vmem>>, %arg2: memref<1024x128xf32, #tpu.memory_space<vmem>>) attributes {dimension_semantics = [#tpu.dimension_semantics<arbitrary>], iteration_bounds = array<i64: 13>, scalar_prefetch = 0 : i64, scratch_operands = 0 : i64, tpu.core_type = #tpu.core_type<tc>, window_params = [{transform_indices = @transform_0, window_bounds = array<i64: 1024, 128>}, {transform_indices = @transform_1, window_bounds = array<i64: 1024, 128>}]} {
    %get3A = arith.constant 0 : index
    %get3A_0 = arith.constant 0 : index
    %get3A_1 = vector.load %arg1[%get3A, %get3A_0] : memref<1024x128xf32, #tpu.memory_space<vmem>>, vector<1024x128xf32>
    %logistic3A = arith.negf %get3A_1 : vector<1024x128xf32>
    %logistic3A_2 = math.exp %logistic3A : vector<1024x128xf32>
    %logistic3A_3 = arith.constant 1.000000e+00 : f32
    %logistic3A_4 = vector.broadcast %logistic3A_3 : f32 to vector<1024x128xf32>
    %logistic3A_5 = arith.addf %logistic3A_4, %logistic3A_2 : vector<1024x128xf32>
    %logistic3A_6 = arith.divf %logistic3A_4, %logistic3A_5 : vector<1024x128xf32>
    %swap3A = arith.constant 0 : index
    %swap3A_7 = arith.constant 0 : index
    %swap3A_8 = vector.load %arg2[%swap3A, %swap3A_7] : memref<1024x128xf32, #tpu.memory_space<vmem>>, vector<1024x128xf32>
    tpu.vector_store %arg2[%swap3A, %swap3A_7], %logistic3A_6 {strides = array<i32>} : memref<1024x128xf32, #tpu.memory_space<vmem>>, vector<1024x128xf32>,
    return
  }
  func.func @transform_0(%arg0: i32) -> (i32, i32) {
    %c0_i32 = arith.constant 0 : i32
    %c0_i32_0 = arith.constant 0 : i32
    return %arg0, %c0_i32 : i32, i32
  }
  func.func @transform_1(%arg0: i32) -> (i32, i32) {
    %c0_i32 = arith.constant 0 : i32
    %c0_i32_0 = arith.constant 0 : i32
    return %arg0, %c0_i32 : i32, i32
  }
}

</mosaic_0001>

<sc_bundles>
// kernel: kernel.5.cloned.1.call-start
scs
__scs_entry_jumppad:
0x0: {  	(pc) =	sbr.rel $0x88, $3  }
0x1: {  	(tag) =	ssettag $0x0;
	lr =	simm.s32 $0x1  }
0x2: {  	[smem:$0x3F94] =	sst lr;
	_ =	strace $0xD0000000  }
0x3: {  	_ = 	snop  }
0x4: {  	_ = 	snop  }
0x5: {  	_ = 	snop  }
0x6: {  	_ = 	snop  }
0x7: {  	_ = 	snop  }
__scs_overlays_trampoline_lowered:
0x8: {  	[smem:$0x3FA3] =	sst s0  }
0x9: {  	[smem:$0x3FA4] =	sst s1  }
0xa: {  	[smem:$0x3FA5] =	sst s2  }
0xb: {  	[smem:$0x3FA6] =	sst s3  }
0xc: {  	[smem:$0x3FA7] =	sst s4  }
0xd: {  	[smem:$0x3FA8] =	sst s5  }
0xe: {  	[smem:$0x3FA9] =	sst s6  }
0xf: {  	[smem:$0x3FAA] =	sst s7  }
0x10: {  	[smem:$0x3FAB] =	sst s8  }
0x11: {  	[smem:$0x3FAC] =	sst s9;
	s0 =	simm.s32 @!p0 $0x0  }
0x12: {  	s1 =	sld [smem:$0x3F92];
	s0 =	simm.s32 @p0 $0x1  }
0x13: {  	[smem:$0x3FAD] =	sst s0;
	s0 =	simm.s32 @!p1 $0x0  }
0x14: {  	s2 =	sld [smem:$0x3F91];
	s0 =	simm.s32 @p1 $0x1  }
0x15: {  	[smem:$0x3FAE] =	sst s0;
	s0 =	simm.s32 @!p2 $0x0  }
0x16: {  	s3 =	sld [smem:$0x3FDB];
	s0 =	simm.s32 @p2 $0x1  }
0x17: {  	s4 =	simm.s32 $0x1BF5;
	[smem:$0x3FB0] =	sst s0  }
0x18: {  	s0 =	sld [smem:$0x3F93];
	_ =	swait.ge [sflag:s4], $0x0  }
0x19: {  	s7 =	sld [smem:$0x3F94]  }
0x1a: {  	s8 =	sadd.s32 $0xFFFFE003, lr  }
0x1b: {  	s9 =	sadd.s32 $0xFFFFFEF7, lr;
	s5 =	simm.s32 $0xFFFFFFFF;
	p2 =	slt.u32 s8, $0xFFFFF086  }
0x1c: {  	p1 =	slt.u32 s9, $0xF7A;
	s5 =	simm.s32 @!p2 $0x0  }
0x1d: {  	s5 =	simm.s32 @p1 $0x1;
	p0 =	seq.s32 s7, s2  }
0x1e: {  	s7 =	smul.u32 @!p0 $0xF7A, s2;
	p2 =	seq.s32 @!p0 s5, $0x0  }
0x1f: {  	s9 =	smul.u32 $0xF7A, s1;
	s8 =	simm.s32 @!p0 $0x1BF5;
	p2 =	por !p2, p0  }
0x20: {  	[sflag:s8] =	ssyncset.s32 @!p0 $0xFFFFF086;
	s6 =	sadd.s32 @!p0 s3, s7;
	s7 =	simm.s32 @!p0 $0x108  }
0x21: {  	s3 =	sadd.s32 s3, s9;
	s6 =	sadd.s32 @!p0 $0x88, s6;
	s7 =	simm.s32 @p2 $0x1082  }
0x22: {  	[simem:s7], [sflag:s8] =	dma.local @!p0 [hbm:s6], $0xF7A  }
0x23: {  	s9 =	sor.u32 $0xD0000000, s2;
	s6 =	simm.s32 $0x108;
	_ =	swait.ge @!p0 [sflag:s8], $0x0  }
0x24: {  	s3 =	sadd.s32 $0x88, s3;
	s6 =	simm.s32 @!p1 $0x1082;
	[sflag:s4] =	ssyncset.s32 $0xFFFFF086  }
0x25: {  	[simem:s6], [sflag:s4] =	dma.local [hbm:s3], $0xF7A  }
0x26: {  	[smem:$0x3F94] =	sst s1;
	(tag) =	ssettag s2;
	_ =	strace s9  }
0x27: {  	s1 =	sld [smem:$0x3FA4]  }
0x28: {  	s2 =	sld [smem:$0x3FA5]  }
0x29: {  	s4 =	sld [smem:$0x3FA7]  }
0x2a: {  	p0 =	seq.s32 s5, $0x0;
	s5 =	sld [smem:$0x3FA8]  }
0x2b: {  	s6 =	sld [smem:$0x3FA9]  }
0x2c: {  	s7 =	sld [smem:$0x3FAA]  }
0x2d: {  	s3 =	simm.s32 $0x108;
	s8 =	sld [smem:$0x3FAB]  }
0x2e: {  	s3 =	simm.s32 @!p0 $0x1082;
	s9 =	sld [smem:$0x3FAC]  }
0x2f: {  	lr =	sadd.s32 s0, s3;
	s0 =	sld [smem:$0x3FA3]  }
0x30: {  	s3 =	sld [smem:$0x3FA6]  }
0x31: {  	[smem:$0x3FAF] =	sst s10  }
0x32: {  	s10 =	sld [smem:$0x3FAD];
	_ =	sdelay $0x3  }
0x33: {  	p0 =	seq.s32 s10, $0x1;
	s10 =	sld [smem:$0x3FAF];
	_ =	sdelay $0x3  }
0x34: {  	[smem:$0x3FAF] =	sst s10  }
0x35: {  	s10 =	sld [smem:$0x3FAE];
	_ =	sdelay $0x3  }
0x36: {  	p1 =	seq.s32 s10, $0x1;
	s10 =	sld [smem:$0x3FAF];
	_ =	sdelay $0x3  }
0x37: {  	[smem:$0x3FAF] =	sst s10  }
0x38: {  	s10 =	sld [smem:$0x3FB0]  }
0x39: {  	_ = 	snop;
	(pc) =	sbr.ind lr, $3  }
0x3a: {  	_ = 	snop  }
0x3b: {  	_ = 	snop  }
0x3c: {  	p2 =	seq.s32 s10, $0x1;
	s10 =	sld [smem:$0x3FAF]  }
0x3d: {  	_ =	shalt  }
0x3e: {  	_ =	shalt  }
0x3f: {  	_ =	shalt  }
0x40: {  	_ =	shalt  }
0x41: {  	_ =	shalt  }
0x42: {  	_ =	shalt  }
0x43: {  	_ =	shalt  }
0x44: {  	_ =	shalt  }
0x45: {  	_ =	shalt  }
0x46: {  	_ =	shalt  }
0x47: {  	_ =	shalt  }
0x48: {  	_ =	shalt  }
0x49: {  	_ =	shalt  }
0x4a: {  	_ =	shalt  }
0x4b: {  	_ =	shalt  }
0x4c: {  	_ =	shalt  }
0x4d: {  	_ =	shalt  }
0x4e: {  	_ =	shalt  }
0x4f: {  	_ =	shalt  }
0x50: {  	_ =	shalt  }
0x51: {  	_ =	shalt  }
0x52: {  	_ =	shalt  }
0x53: {  	_ =	shalt  }
0x54: {  	_ =	shalt  }
0x55: {  	_ =	shalt  }
0x56: {  	_ =	shalt  }
0x57: {  	_ =	shalt  }
0x58: {  	_ =	shalt  }
0x59: {  	_ =	shalt  }
0x5a: {  	_ =	shalt  }
0x5b: {  	_ =	shalt  }
0x5c: {  	_ =	shalt  }
0x5d: {  	_ =	shalt  }
0x5e: {  	_ =	shalt  }
0x5f: {  	_ =	shalt  }
0x60: {  	_ =	shalt  }
0x61: {  	_ =	shalt  }
0x62: {  	_ =	shalt  }
0x63: {  	_ =	shalt  }
0x64: {  	_ =	shalt  }
0x65: {  	_ =	shalt  }
0x66: {  	_ =	shalt  }
0x67: {  	_ =	shalt  }
0x68: {  	_ =	shalt  }
0x69: {  	_ =	shalt  }
0x6a: {  	_ =	shalt  }
0x6b: {  	_ =	shalt  }
0x6c: {  	_ =	shalt  }
0x6d: {  	_ =	shalt  }
0x6e: {  	_ =	shalt  }
0x6f: {  	_ =	shalt  }
0x70: {  	_ =	shalt  }
0x71: {  	_ =	shalt  }
0x72: {  	_ =	shalt  }
0x73: {  	_ =	shalt  }
0x74: {  	_ =	shalt  }
0x75: {  	_ =	shalt  }
0x76: {  	_ =	shalt  }
0x77: {  	_ =	shalt  }
0x78: {  	_ =	shalt  }
0x79: {  	_ =	shalt  }
0x7a: {  	_ =	shalt  }
0x7b: {  	_ =	shalt  }
0x7c: {  	_ =	shalt  }
0x7d: {  	_ =	shalt  }
0x7e: {  	_ =	shalt  }
0x7f: {  	_ =	shalt  }
0x80: {  	_ =	shalt  }
0x81: {  	_ =	shalt  }
0x82: {  	_ =	shalt  }
0x83: {  	_ =	shalt  }
0x84: {  	_ =	shalt  }
0x85: {  	_ =	shalt  }
0x86: {  	_ =	shalt  }
0x87: {  	_ =	shalt  }
.Lfunc_end0:
.L_simem_size_0:
called_computation_lowered:
.L_overlay_start_0:
0x88: {  	s2 =	sld [smem:$0x3FD9]  }
0x89: {  	s3 =	sld [smem:$0x3FFE];
	_ =	sdelay $0x1  }
0x8a: {  	s1 =	srdreg.scid  }
0x8b: {  	s0 =	sand.u32 $0x1, s1  }
0x8c: {  	s17 =	sshll.u32 s0, $0xA;
	s2 =	sadd.s32 s3, s2  }
0x8d: {  	s2 =	sadd.s32 s2, s17  }
0x8e: {  	[smem:$0x3FBB] =	sst s2  }
0x8f: {  	_ = 	snop  }
0x90: {  	s2 =	sld [smem:$0x3FC7]  }
0x91: {  	s18 =	sld [smem:$0x3FD0];
	(tm) =	ssettm $0x1  }
0x92: {  	s4 =	sld [smem:$0x3FFB];
	_ =	sdelay $0x3  }
0x93: {  	_ =	strace s4  }
0x94: {  	s4 =	sld [smem:$0x3FFC];
	_ =	sdelay $0x3  }
0x95: {  	_ =	strace s4  }
0x96: {  	s4 =	sld [smem:$0x3FFD];
	_ =	sdelay $0x3  }
0x97: {  	_ =	strace s4  }
0x98: {  	_ =	strace $0x8FFFFFFF  }
0x99: {  	s19 =	sld [smem:$0x3FDB];
	_ =	sdelay $0x1  }
0x9a: {  	s5 =	simm.s32 $_scs_section_size  }
0x9b: {  	s6 =	simm.s32 $_size__tile_overlayer_lowered;
	s7 =	simm.s32 $_tile_overlayer_lowered  }
0x9c: {  	s22 =	simm.s32 $0x1BFF;
	s21 =	sshll.u32 s7, $0x1;
	s4 =	sadd.s32 s5, s19  }
0x9d: {  	s8 =	simm.s32 $0x0;
	s20 =	sshll.u32 s6, $0x1;
	s6 =	sadd.s32 s21, s4  }
0x9e: {  	[timem:s8], [sflag:s22] =	dma.local [hbm:s6], s20  }
0x9f: {  	_ =	swait.ge [sflag:s22], s20  }
0xa0: {  	s5 =	ssub.s32 $0x0, s20;
	[sflag:s22] =	ssyncset.done $0x0  }
0xa1: {  	[sflag:s22] =	ssyncadd.s32 s5;
	_ =	sdelay $0x1  }
0xa2: {  	s23 =	simm.s32 $0x1B8B  }
0xa3: {  	_ =	swait.ge [sflag:s23], $0x1  }
0xa4: {  	[sflag:s23] =	ssyncset.done $0x0  }
0xa5: {  	s25 =	simm.s32 $0x1B8E;
	s24 =	sld [smem:$0x3FFE];
	[sflag:s23] =	ssyncadd.s32 $0xFFFFFFFF  }
0xa6: {  	s26 =	simm.s32 $execute0_lowered;
	[smem:$0x3FD2] =	sst s25  }
0xa7: {  	s6 =	sshll.u32 s26, $0x1;
	_ =	strace $0x80000046;
	[dreg:$0x1] =	wrdreg $0xFFFFFFFF  }
0xa8: {  	s28 =	simm.s32 $_size_execute0_lowered;
	s4 =	sadd.s32 s4, s6;
	[dreg:$0x0] =	wrdreg $0x0  }
0xa9: {  	s6 =	sshll.u32 s28, $0x1;
	[dreg:$0x2] =	wrdreg s4  }
0xaa: {  	[dreg:$0x3] =	wrdreg s6  }
0xab: {  	[dreg:$0x4] =	wrdreg $0xC0  }
0xac: {  	_ =	task [dreg:s8], $0x5FFFF  }
0xad: {  	[dreg:$0x1] =	wrdreg $0xFFFFFFFF  }
0xae: {  	[dreg:$0x0] =	wrdreg $0x60  }
0xaf: {  	[dreg:$0x2] =	wrdreg s24  }
0xb0: {  	[dreg:$0x3] =	wrdreg s2  }
0xb1: {  	[dreg:$0x4] =	wrdreg s18  }
0xb2: {  	[dreg:$0x5] =	wrdreg $0x9  }
0xb3: {  	_ =	task.clear_ibuf [dreg:s8], $0x6FFFF;
	_ =	strace $0x90000046  }
0xb4: {  	s29 =	simm.s32 $0x9;
	_ =	strace $0x80000048  }
0xb5: {  	_ =	swait.ge [sflag:s29], $0x1  }
0xb6: {  	[sflag:s29] =	ssyncadd.s32 $0xFFFFFFFF  }
0xb7: {  	_ =	strace $0x90000048  }
0xb8: {  	_ =	sfence  }
0xb9: {  	s30 =	sld [smem:$0x0];
	_ =	sdelay $0x2  }
0xba: {  	s31 =	sshll.u32 s1, $0xD;
	s1 =	sshrl.u32 s1, $0x2  }
0xbb: {  	s3 =	sand.u32 $0x4000, s31;
	s1 =	sadd.s32 s1, s30  }
0xbc: {  	s0 =	sor.u32 s3, s0;
	s1 =	sshll.u32 s1, $0x11  }
0xbd: {  	s0 =	sor.u32 s1, s0  }
0xbe: {  	s0 =	sadd.s32 $0x8F2B, s0  }
0xbf: {  	[sflag:s0] =	ssyncadd.remote.s32 $0x1  }
0xc0: {  	_ =	sfence.sel $0xFFFF  }
0xc1: {  	[dreg:$0x0] =	wrdreg $0xFFFFFFFF;
	(pc) =	sbr.abs _section_cstart, $3  }
0xc2: {  	[dreg:$0x1] =	wrdreg $0xFFFFFFFF  }
0xc3: {  	_ =	task.clear_ibuf [dreg:s8], $0x2FFFF;
	_ =	strace $0x9FFFFFFF  }
0xc4: {  	(tm) =	ssettm $0x7FFFFFFF  }
0xc5: {  	_ =	shalt  }
tec
execute0_lowered:
.L_overlay_start_1:
0x0: {  	(tag) =	ssettag $0x1  }
0x1: {  	s1 =	rddreg [dreg:$0x0];
	s2 =	srdreg.scid  }
0x2: {  	s0 =	stileid.u32;
	s3 =	rddreg [dreg:$0x1]  }
0x3: {  	s4 =	rddreg [dreg:$0x2];
	s5 =	simm.s32 $0x0;
	s10 =	simm.s32 $0x2780  }
0x4: {  	s11 =	simm.s32 $0x4F00;
	s6 =	sand.u32 $0x1, s2;
	s31 =	sshll.u32 s0, $0x1  }
0x5: {  	s12 =	simm.s32 $0xB100;
	s13 =	simm.s32 $0x0;
	s7 =	sor.u32 s6, s31  }
0x6: {  	[smem:$0x7FF] =	sst s5;
	s8 =	ssub.s32 $0x2, s6;
	s7 =	smul.u32 $0xC350, s7  }
0x7: {  	s2 =	rddreg [dreg:$0x3];
	_ =	strace $0x80000047;
	s9 =	sshrl.u32 s8, $0x1  }
0x8: {  	s6 =	sadd.s32 $0x600, s1;
	s8 =	ssub.s32 s8, s9;
	s7 =	sand.u32 $0x1FFF80, s7  }
0x9: {  	s9 =	simm.s32 $0x1;
	s8 =	smax.u32 s8, $0x1;
	s7 =	smin.u32 s7, $0x17A600  }
.LBB2_1:
0xa: {  	[tilespmem:s5], [sflag:$0x1] =	stream.linear.gather [hbm4b:s1+s5], $0x2780, $0x38;
	[tilespmem:$0xE200] =	vst v63  }
0xb: {  	_ =	swait.ge [sflag:s9], $0x2780  }
0xc: {  	[sflag:s9] =	ssyncset.done $0x0  }
0xd: {  	[sflag:s9] =	ssyncadd.s32 $0xFFFFD880  }
0xe: {  	[tilespmem:s10], [sflag:$0x1] =	stream.linear.gather [hbm4b:s6+s5], $0x2780, $0x38;
	[tilespmem:$0xE200] =	vst v63  }
0xf: {  	_ =	swait.ge [sflag:s9], $0x2780  }
0x10: {  	[sflag:s9] =	ssyncset.done $0x0  }
0x11: {  	s14 =	simm.s32 $0x0;
	[sflag:s9] =	ssyncadd.s32 $0xFFFFD880  }
.LBB2_2:
0x12: {  	s15 =	smul.u32 $0x3100, s14;
	_ =	sdelay $0x1  }
0x13: {  	s15 =	sadd.s32 s7, s15  }
0x14: {  	s16 =	sshrl.u32 s15, $0x2  }
0x15: {  	s16 =	sadd.s32 s3, s16  }
0x16: {  	[tilespmem:s11], [sflag:$0x1] =	stream.linear.gather [hbm4b:s16+s5], $0x6200, $0x38;
	[tilespmem:$0xE200] =	vst v63  }
0x17: {  	_ =	swait.ge [sflag:s9], $0x6200  }
0x18: {  	[sflag:s9] =	ssyncset.done $0x0  }
0x19: {  	s31 =	simm.s32 $0x4F80;
	[sflag:s9] =	ssyncadd.s32 $0xFFFF9E00  }
0x1a: {  	v0 =	vld [tilespmem:s31+$0xFFFFFFF0]  }
0x1b: {  	v1 =	vld [tilespmem:s31+$0x70]  }
0x1c: {  	v2 =	vld [tilespmem:s31+$0x0]  }
0x1d: {  	v3 =	vld [tilespmem:s31+$0xFFFFFF90]  }
0x1e: {  	v4 =	vld [tilespmem:s31+$0x10]  }
0x1f: {  	v5 =	vld [tilespmem:s31+$0xFFFFFFA0]  }
0x20: {  	v6 =	vld [tilespmem:s31+$0x20]  }
0x21: {  	v7 =	vld [tilespmem:s31+$0xFFFFFFB0]  }
0x22: {  	v9 =	vld [tilespmem:s31+$0xFFFFFFC0]  }
0x23: {  	v10 =	vld [tilespmem:s31+$0x40]  }
0x24: {  	v11 =	vld [tilespmem:s31+$0xFFFFFFD0]  }
0x25: {  	v12 =	vld [tilespmem:s31+$0x50]  }
0x26: {  	v13 =	vld [tilespmem:s31+$0xFFFFFFE0]  }
0x27: {  	v14 =	vld [tilespmem:s31+$0x60]  }
0x28: {  	v15 =	vld [tilespmem:s31+$0xFFFFFF80]  }
0x29: {  	v8 =	vld.idx.msk [tilespmem:v0+s5+$0x0], $0xffff  }
0x2a: {  	v1 =	vld.idx.msk [tilespmem:v1+s10+$0x0], $0xffff  }
0x2b: {  	v0 =	vld [tilespmem:s31+$0x30]  }
0x2c: {  	v16 =	vld.idx.msk [tilespmem:v2+s10+$0x0], $0xffff  }
0x2d: {  	v3 =	vld.idx.msk [tilespmem:v3+s5+$0x0], $0xffff  }
0x2e: {  	v4 =	vld.idx.msk [tilespmem:v4+s10+$0x0], $0xffff  }
0x2f: {  	v5 =	vld.idx.msk [tilespmem:v5+s5+$0x0], $0xffff  }
0x30: {  	v6 =	vld.idx.msk [tilespmem:v6+s10+$0x0], $0xffff  }
0x31: {  	v7 =	vld.idx.msk [tilespmem:v7+s5+$0x0], $0xffff  }
0x32: {  	v15 =	vld.idx.msk [tilespmem:v15+s5+$0x0], $0xffff  }
0x33: {  	v17 =	vld.idx.msk [tilespmem:v0+s10+$0x0], $0xffff  }
0x34: {  	v2 =	vld.idx.msk [tilespmem:v10+s10+$0x0], $0xffff  }
0x35: {  	v8 =	vadd.f32 v1, v8;
	v1 =	vld.idx.msk [tilespmem:v11+s5+$0x0], $0xffff  }
0x36: {  	s16 =	simm.s32 $0xB140;
	v3 =	vadd.f32 v4, v3;
	v0 =	vld.idx.msk [tilespmem:v9+s5+$0x0], $0xffff  }
0x37: {  	v5 =	vadd.f32 v6, v5;
	v4 =	vld.idx.msk [tilespmem:v12+s10+$0x0], $0xffff;
	[tilespmem:s16+$0x30] =	vst v8  }
0x38: {  	[tilespmem:s16+$0xFFFFFFD0] =	vst v3;
	v3 =	vld.idx.msk [tilespmem:v13+s5+$0x0], $0xffff;
	v7 =	vadd.f32 v17, v7  }
0x39: {  	s17 =	simm.s32 $0x0;
	s18 =	simm.s32 $0x5080;
	v6 =	vadd.f32 v16, v15;
	[tilespmem:s16+$0xFFFFFFE0] =	vst v5;
	v5 =	vld.idx.msk [tilespmem:v14+s10+$0x0], $0xffff  }
.LBB2_3:
0x3a: {  	v8 =	vld [tilespmem:s18+$0xFFFFFFF0];
	[tilespmem:s16+$0xFFFFFFF0] =	vst v7  }
0x3b: {  	s17 =	sadd.s32 $0x80, s17;
	v0 =	vadd.f32 v2, v0;
	v7 =	vld [tilespmem:s18+$0x70];
	[tilespmem:s16+$0xFFFFFFC0] =	vst v6  }
0x3c: {  	p0 =	slt.u32 s17, $0x3080;
	v2 =	vld [tilespmem:s18+$0x0]  }
0x3d: {  	v6 =	vld [tilespmem:s18+$0xFFFFFF90];
	[tilespmem:s16+$0x0] =	vst v0;
	v0 =	vadd.f32 v4, v1  }
0x3e: {  	v1 =	vld [tilespmem:s18+$0x10]  }
0x3f: {  	v4 =	vld [tilespmem:s18+$0xFFFFFFA0];
	[tilespmem:s16+$0x10] =	vst v0;
	v0 =	vadd.f32 v5, v3  }
0x40: {  	v3 =	vld [tilespmem:s18+$0x20]  }
0x41: {  	v5 =	vld [tilespmem:s18+$0xFFFFFFB0];
	[tilespmem:s16+$0x20] =	vst v0  }
0x42: {  	v0 =	vld.idx.msk [tilespmem:v8+s5+$0x0], $0xffff  }
0x43: {  	v7 =	vld.idx.msk [tilespmem:v7+s10+$0x0], $0xffff  }
0x44: {  	v8 =	vld [tilespmem:s18+$0x30]  }
0x45: {  	v9 =	vld [tilespmem:s18+$0xFFFFFFC0]  }
0x46: {  	v10 =	vld [tilespmem:s18+$0x40]  }
0x47: {  	v11 =	vld [tilespmem:s18+$0xFFFFFFD0]  }
0x48: {  	v12 =	vld [tilespmem:s18+$0x50]  }
0x49: {  	v0 =	vadd.f32 v7, v0;
	v13 =	vld [tilespmem:s18+$0xFFFFFFE0]  }
0x4a: {  	s16 =	sadd.s32 $0x80, s16;
	v14 =	vld [tilespmem:s18+$0x60]  }
0x4b: {  	v7 =	vld [tilespmem:s18+$0xFFFFFF80];
	[tilespmem:s16+$0x30] =	vst v0  }
0x4c: {  	v15 =	vld.idx.msk [tilespmem:v2+s10+$0x0], $0xffff  }
0x4d: {  	v0 =	vld.idx.msk [tilespmem:v6+s5+$0x0], $0xffff  }
0x4e: {  	v1 =	vld.idx.msk [tilespmem:v1+s10+$0x0], $0xffff  }
0x4f: {  	v4 =	vld.idx.msk [tilespmem:v4+s5+$0x0], $0xffff  }
0x50: {  	v3 =	vld.idx.msk [tilespmem:v3+s10+$0x0], $0xffff  }
0x51: {  	v5 =	vld.idx.msk [tilespmem:v5+s5+$0x0], $0xffff  }
0x52: {  	v6 =	vld.idx.msk [tilespmem:v8+s10+$0x0], $0xffff  }
0x53: {  	v8 =	vld.idx.msk [tilespmem:v7+s5+$0x0], $0xffff  }
0x54: {  	v1 =	vadd.f32 v1, v0;
	v0 =	vld.idx.msk [tilespmem:v9+s5+$0x0], $0xffff  }
.Ltmp0:
0x55: {  	v2 =	vld.idx.msk [tilespmem:v10+s10+$0x0], $0xffff;
	(pc) =	sbr.rel @p0 .LBB2_3-.Ltmp0, $4  }
0x56: {  	v3 =	vadd.f32 v3, v4;
	[tilespmem:s16+$0xFFFFFFD0] =	vst v1;
	v1 =	vld.idx.msk [tilespmem:v11+s5+$0x0], $0xffff  }
0x57: {  	v4 =	vld.idx.msk [tilespmem:v12+s10+$0x0], $0xffff  }
0x58: {  	v7 =	vadd.f32 v6, v5;
	[tilespmem:s16+$0xFFFFFFE0] =	vst v3;
	v3 =	vld.idx.msk [tilespmem:v13+s5+$0x0], $0xffff  }
0x59: {  	s18 =	sadd.s32 $0x100, s18;
	v6 =	vadd.f32 v15, v8;
	v5 =	vld.idx.msk [tilespmem:v14+s10+$0x0], $0xffff  }
0x5a: {  	_ =	sdelay $0x1  }
0x5b: {  	[tilespmem:s16+$0xFFFFFFF0] =	vst v7;
	v0 =	vadd.f32 v2, v0  }
0x5c: {  	[tilespmem:s16+$0xFFFFFFC0] =	vst v6;
	v1 =	vadd.f32 v4, v1  }
0x5d: {  	s14 =	sadd.s32 $0x1, s14;
	[tilespmem:s16+$0x0] =	vst v0;
	v63 =	vadd.f32 v5, v3  }
0x5e: {  	s15 =	sshrl.u32 s15, $0x3;
	p0 =	sne.s32 s14, $0x4;
	[tilespmem:s16+$0x10] =	vst v1  }
.Ltmp1:
0x5f: {  	s15 =	sadd.s32 s4, s15;
	[tilespmem:s16+$0x20] =	vst v63;
	(pc) =	sbr.rel @p0 .LBB2_2-.Ltmp1, $4  }
0x60: {  	[hbm4b:s15+s5] =	stream.linear.scatter [tilespmem:s12], [sflag:$0x1], $0x3100, $0x38;
	[tilespmem:$0xE200] =	vst v63  }
0x61: {  	_ =	swait.ge [sflag:s9], $0x3100  }
0x62: {  	[sflag:s9] =	ssyncset.done $0x0  }
0x63: {  	[sflag:s9] =	ssyncadd.s32 $0xFFFFCF00  }
0x64: {  	s13 =	sadd.s32 $0x1, s13  }
0x65: {  	p0 =	sne.s32 s13, s8  }
.Ltmp2:
0x66: {  	_ = 	snop;
	(pc) =	sbr.rel @p0 .LBB2_1-.Ltmp2, $1  }
0x67: {  	_ =	sdelay $0x3  }
0x68: {  	_ =	sfence.sel $0x180000  }
0x69: {  	[bflag:$0x0] =	sbarrier.arrive $0xFFFF  }
0x6a: {  	p0 =	sne.s32 s0, $0x0;
	_ =	strace $0x90000047  }
0x6b: {  	s0 =	sadd.s32 @!p0 $0x100000, s2;
	[bflag:$0x2] =	sbarrier.arrive $0xFFFF  }
0x6c: {  	[sflag:s0] =	ssyncadd.tile.s32 @!p0 $0x1;
	_ =	shalt  }
.Lfunc_end2:
_tile_overlayer_lowered:
.L_overlay_start_2:
0x6d: {  	(tag) =	ssettag $0x2  }
0x6e: {  	s0 =	rddreg [dreg:$0x0];
	s2 =	stileid.u32  }
0x6f: {  	s1 =	rddreg [dreg:$0x1];
	p0 =	sne.s32 s2, $0x0  }
0x70: {  	s3 =	rddreg [dreg:$0x2];
	[bflag:$0x3] =	sbarrier.arrive $0xFFFF;
	s2 =	simm.s32 @!p0 $0x1C01  }
0x71: {  	[timem:s3], [sflag:s2] =	dma.local @!p0 [hbm:s0], s1  }
0x72: {  	s0 =	simm.s32 @!p0 $0x1  }
0x73: {  	_ =	swait.ge @!p0 [sflag:s0], s1  }
0x74: {  	s1 =	ssub.s32 @!p0 $0x0, s1;
	[sflag:s0] =	ssyncset.done @!p0 $0x0  }
0x75: {  	[sflag:s0] =	ssyncadd.s32 @!p0 s1  }
0x76: {  	[bflag:$0x3] =	sbarrier.arrive $0xFFFF  }
0x77: {  	_ =	shalt  }

</sc_bundles>
